<compile_context>
chip_gen: v7x
topology: tpu7x:2x2x1
jax: 0.10.2.dev20260603
libtpu: 0.0.44.dev20260713+nightly
codegen_flags: <defaults>
</compile_context>

<pallas_src>
import jax
import jax.numpy as jnp
from jax import lax
from jax.experimental import pallas as pl
from jax.experimental.pallas import tpu as pltpu
from jax.experimental.pallas import tpu_sc as plsc

B = 16384
NSPLIT = 1
BH = B // NSPLIT
D = 64
DT = 128
L = 16
NC = 2
NS = 16
NW = NC * NS
BPW = BH // NW
IC = 128
CH = 128
NCH = BPW // CH
NBUF = 2
NG = CH // L
RPC = CH * L // IC
RCHUNK = NCH * RPC
ABLATE_SCATTER = True
ABLATE_COMPUTE = True
ABLATE_GATHER = True
ABLATE_HT = True


def _predictor_body(head_hbm, tail_hbm, ids_hbm, table_hbm, ridx_hbm, out_hbm,
                    idx_v, rel_v, head_v, tail_v, zero_v, part_v, ridx_v,
                    shared_v, sem_misc, sem_in0, sem_in1, sem_add0, sem_add1):
    s_idx = lax.axis_index("s")
    wid = s_idx * NC + lax.axis_index("c")
    base = wid * BPW
    sbase = s_idx * BPW
    sems_in = (sem_in0, sem_in1)
    sems_add = (sem_add0, sem_add1)

    for c in range(NCH):
        pltpu.sync_copy(ids_hbm.at[pl.ds(base + c * IC, IC)], idx_v.at[c])

    def start_inputs(c):
        p = c % NBUF
        row0 = c * CH
        return ([] if ABLATE_GATHER else [
            pltpu.async_copy(table_hbm.at[idx_v.at[c]], rel_v.at[p],
                             sems_in[p]),
        ]) + ([] if ABLATE_HT else [
            pltpu.async_copy(head_hbm.at[pl.ds(base + row0, CH)],
                             head_v.at[p], sems_in[p]),
            pltpu.async_copy(tail_hbm.at[pl.ds(base + row0, CH)],
                             tail_v.at[p], sems_in[p]),
        ])

    in_copies = [None] * NCH
    for c in range(NBUF):
        in_copies[c] = start_inputs(c)

    ridx_cp = pltpu.async_copy(ridx_hbm.at[s_idx], ridx_v, sem_misc)

    def zero_body(g, carry):
        zero_v[pl.ds(g * L, L)] = jnp.zeros((L,), jnp.float32)
        return carry

    lax.fori_loop(0, BPW // L, zero_body, 0)
    ridx_cp.wait()
    pltpu.sync_copy(zero_v, shared_v.at[pl.ds(sbase, BPW)])

    add_copies = [None] * NCH
    for c in range(NCH):
        p = c % NBUF
        for cp in in_copies[c]:
            cp.wait()
        if c >= NBUF:
            for cp in add_copies[c - NBUF]:
                cp.wait()

        def group_body(g, carry):
            for j in range(L):
                b = g * L + j
                acc = ((head_v[p, b, pl.ds(0, L)] + rel_v[p, b, pl.ds(0, L)])
                       * tail_v[p, b, pl.ds(0, L)])
                for k in range(1, D // L):
                    acc = acc + ((head_v[p, b, pl.ds(k * L, L)]
                                  + rel_v[p, b, pl.ds(k * L, L)])
                                 * tail_v[p, b, pl.ds(k * L, L)])
                acc = acc + rel_v[p, b, pl.ds(D, L)]
                part_v[p, pl.ds(b * L, L)] = acc
            return carry

        if not ABLATE_COMPUTE:
            lax.fori_loop(0, NG, group_body, 0)

        add_copies[c] = [
            pltpu.async_copy(part_v.at[p].at[pl.ds(r * IC, IC)],
                             shared_v.at[ridx_v.at[c * RPC + r]],
                             sems_add[p], add=True)
            for r in range(RPC)
        ] if not ABLATE_SCATTER else []
        if c + NBUF < NCH:
            in_copies[c + NBUF] = start_inputs(c + NBUF)

    for c in range(NCH - NBUF, NCH):
        for cp in add_copies[c]:
            cp.wait()
    pltpu.sync_copy(shared_v.at[pl.ds(sbase, BPW)],
                    out_hbm.at[pl.ds(base, BPW)])


def kernel(head_emb, tail_emb, rel_ids, rel_emb_weight, bias):
    mesh = plsc.VectorSubcoreMesh(core_axis_name="c", subcore_axis_name="s")
    run = pl.kernel(
        _predictor_body,
        out_type=jax.ShapeDtypeStruct((BH,), jnp.float32),
        mesh=mesh,
        scratch_types=[
            pltpu.VMEM((NCH, IC), jnp.int32),
            pltpu.VMEM((NBUF, CH, DT), jnp.float32),
            pltpu.VMEM((NBUF, CH, D), jnp.float32),
            pltpu.VMEM((NBUF, CH, D), jnp.float32),
            pltpu.VMEM((BPW,), jnp.float32),
            pltpu.VMEM((NBUF, CH * L), jnp.float32),
            pltpu.VMEM((RCHUNK, IC), jnp.int32),
            pltpu.VMEM_SHARED((NS * BPW,), jnp.float32),
            pltpu.SemaphoreType.DMA,
            pltpu.SemaphoreType.DMA,
            pltpu.SemaphoreType.DMA,
            pltpu.SemaphoreType.DMA,
            pltpu.SemaphoreType.DMA,
        ],
    )
    ids32 = rel_ids.astype(jnp.int32)
    tblx = jnp.concatenate(
        [rel_emb_weight, bias[:, None],
         jnp.zeros((rel_emb_weight.shape[0], DT - D - 1), jnp.float32)],
        axis=1)
    ridx = (jnp.arange(NS, dtype=jnp.int32)[:, None] * BPW
            + jnp.repeat(jnp.arange(BPW, dtype=jnp.int32), L)[None, :]
            ).reshape(NS, RCHUNK, IC)
    outs = [
        run(head_emb[k * BH:(k + 1) * BH], tail_emb[k * BH:(k + 1) * BH],
            ids32[k * BH:(k + 1) * BH], tblx, ridx)
        for k in range(NSPLIT)
    ]
    return jnp.concatenate(outs)

# --- scband reference (transcript-rebuilt; emitter-appended) ---
"""Pipeline reference for scband-lightweight-link-predictor-32908039422277 (READ-ONLY COPY).

The authoritative reference and input builder live on the scoring server;
editing this copy changes nothing except your own understanding.
"""

import jax, jax.numpy as jnp
import numpy as np

B = 16384
D = 64
R = 1000

def setup_inputs(seed: int = 0) -> dict:
    key = jax.random.key(seed)
    k1, k2, k3, k4 = jax.random.split(key, 4)
    head_emb = jax.random.normal(k1, (B, D), dtype=jnp.float32)
    tail_emb = jax.random.normal(k2, (B, D), dtype=jnp.float32)
    rel_ids = jax.random.randint(k3, (B,), 0, R, dtype=jnp.int64) if jax.config.jax_enable_x64 else jax.random.randint(k3, (B,), 0, R, dtype=jnp.int32)
    # xavier_uniform for rel_emb weight: bound = sqrt(6/(fan_in+fan_out)) with fan_in=R, fan_out=D
    bound = float(np.sqrt(6.0 / (R + D)))
    rel_emb_weight = jax.random.uniform(k4, (R, D), dtype=jnp.float32, minval=-bound, maxval=bound)
    bias = jnp.zeros((R,), dtype=jnp.float32)
    return {"head_emb": head_emb, "tail_emb": tail_emb, "rel_ids": rel_ids,
            "rel_emb_weight": rel_emb_weight, "bias": bias}

def reference(head_emb, tail_emb, rel_ids, rel_emb_weight, bias):
    rel_emb = jnp.take(rel_emb_weight, rel_ids, axis=0)  # embedding lookup [B, D]
    scores = jnp.sum((head_emb + rel_emb) * tail_emb, axis=1)  # [B]
    scores = scores + jnp.take(bias, rel_ids, axis=0)
    return scores

if __name__ == "__main__":
    import jax
    _d = setup_inputs()
    print(jax.jit(kernel)(*tuple(_d.values())))

</pallas_src>

<mosaic_0001>
#map = affine_map<(d0, d1) -> (0, 0)>
#map1 = affine_map<(d0, d1) -> (0)>
#map2 = affine_map<(d0, d1) -> (0, 0, 0)>
module attributes {stable_mosaic.version = 14 : i64} {
  func.func @_predictor_body(%arg0: i32, %arg1: i32, %arg2: memref<16384x64xf32, #tpu.memory_space<hbm>>, %arg3: memref<16384x64xf32, #tpu.memory_space<hbm>>, %arg4: memref<16384xi32, #tpu.memory_space<hbm>>, %arg5: memref<1000x128xf32, #tpu.memory_space<hbm>>, %arg6: memref<16x64x128xi32, #tpu.memory_space<hbm>>, %arg7: memref<16384xf32, #tpu.memory_space<hbm>>, %arg8: memref<4x128xi32, #tpu.memory_space<vmem>>, %arg9: memref<2x128x128xf32, #tpu.memory_space<vmem>>, %arg10: memref<2x128x64xf32, #tpu.memory_space<vmem>>, %arg11: memref<2x128x64xf32, #tpu.memory_space<vmem>>, %arg12: memref<512xf32, #tpu.memory_space<vmem>>, %arg13: memref<2x2048xf32, #tpu.memory_space<vmem>>, %arg14: memref<64x128xi32, #tpu.memory_space<vmem>>, %arg15: memref<8192xf32, #tpu.memory_space<vmem_shared>>, %arg16: memref<!tpu.dma_semaphore, #tpu.memory_space<semaphore_mem>>, %arg17: memref<!tpu.dma_semaphore, #tpu.memory_space<semaphore_mem>>, %arg18: memref<!tpu.dma_semaphore, #tpu.memory_space<semaphore_mem>>, %arg19: memref<!tpu.dma_semaphore, #tpu.memory_space<semaphore_mem>>, %arg20: memref<!tpu.dma_semaphore, #tpu.memory_space<semaphore_mem>>) attributes {dimension_semantics = [#tpu.dimension_semantics<core_parallel>, #tpu.dimension_semantics<subcore_parallel>], iteration_bounds = array<i64: 2, 16>, scalar_prefetch = 0 : i64, scratch_operands = 13 : i64, tpu.core_type = #tpu.core_type<sc_vector_subcore>, window_params = [{transform_indices = #map}, {transform_indices = #map}, {transform_indices = #map1}, {transform_indices = #map}, {transform_indices = #map2}, {transform_indices = #map1}]} {
    %mul3A = arith.constant 2 : i32
    %mul3A_0 = arith.muli %arg1, %mul3A : i32
    %add3A = arith.addi %mul3A_0, %arg0 : i32
    %mul3A_1 = arith.constant 512 : i32
    %mul3A_2 = arith.muli %add3A, %mul3A_1 : i32
    %mul3A_3 = arith.constant 512 : i32
    %mul3A_4 = arith.muli %arg1, %mul3A_3 : i32
    %add3A_5 = arith.constant 0 : i32
    %add3A_6 = arith.addi %mul3A_2, %add3A_5 : i32
    %run_scoped3A = arith.constant 0 : i32
    "tpu.region"() ({
      %run_scoped3A_35 = tpu.sem_alloc : memref<!tpu.dma_semaphore, #tpu.memory_space<semaphore_mem>>
      %dma_start3A_36 = arith.constant 0 : i32
      %dma_start3A_37 = tpu.memref_slice %arg8[%run_scoped3A, %dma_start3A_36] : memref<4x128xi32, #tpu.memory_space<vmem>> -> memref<1x128xi32, #tpu.memory_space<vmem>>
      %dma_start3A_38 = tpu.memref_squeeze %dma_start3A_37 : memref<1x128xi32, #tpu.memory_space<vmem>> -> memref<128xi32, #tpu.memory_space<vmem>>
      %dma_start3A_39 = tpu.memref_slice %arg4[%add3A_6] : memref<16384xi32, #tpu.memory_space<hbm>> -> memref<128xi32, #tpu.memory_space<hbm>>
      %dma_start3A_40 = arith.constant 0 : i32
      %dma_start3A_41 = tpu.memref_slice %arg8[%run_scoped3A, %dma_start3A_40] : memref<4x128xi32, #tpu.memory_space<vmem>> -> memref<1x128xi32, #tpu.memory_space<vmem>>
      %dma_start3A_42 = tpu.memref_squeeze %dma_start3A_41 : memref<1x128xi32, #tpu.memory_space<vmem>> -> memref<128xi32, #tpu.memory_space<vmem>>
      %dma_start3A_43 = tpu.memref_slice %arg4[%add3A_6] : memref<16384xi32, #tpu.memory_space<hbm>> -> memref<128xi32, #tpu.memory_space<hbm>>
      tpu.enqueue_dma source(%dma_start3A_43 : memref<128xi32, #tpu.memory_space<hbm>>) target(%dma_start3A_42 : memref<128xi32, #tpu.memory_space<vmem>>) target_semaphore(%run_scoped3A_35 : memref<!tpu.dma_semaphore, #tpu.memory_space<semaphore_mem>>)
      %dma_wait3A_44 = arith.constant 0 : i32
      %dma_wait3A_45 = tpu.memref_slice %arg8[%run_scoped3A, %dma_wait3A_44] : memref<4x128xi32, #tpu.memory_space<vmem>> -> memref<1x128xi32, #tpu.memory_space<vmem>>
      %dma_wait3A_46 = tpu.memref_squeeze %dma_wait3A_45 : memref<1x128xi32, #tpu.memory_space<vmem>> -> memref<128xi32, #tpu.memory_space<vmem>>
      %dma_wait3A_47 = tpu.memref_slice %arg4[%add3A_6] : memref<16384xi32, #tpu.memory_space<hbm>> -> memref<128xi32, #tpu.memory_space<hbm>>
      %dma_wait3A_48 = arith.constant 0 : i32
      %dma_wait3A_49 = tpu.memref_slice %arg8[%run_scoped3A, %dma_wait3A_48] : memref<4x128xi32, #tpu.memory_space<vmem>> -> memref<1x128xi32, #tpu.memory_space<vmem>>
      %dma_wait3A_50 = tpu.memref_squeeze %dma_wait3A_49 : memref<1x128xi32, #tpu.memory_space<vmem>> -> memref<128xi32, #tpu.memory_space<vmem>>
      %dma_wait3A_51 = tpu.memref_slice %arg4[%add3A_6] : memref<16384xi32, #tpu.memory_space<hbm>> -> memref<128xi32, #tpu.memory_space<hbm>>
      tpu.wait_dma2 semaphore(%run_scoped3A_35 : memref<!tpu.dma_semaphore, #tpu.memory_space<semaphore_mem>>) src(%dma_wait3A_51 : memref<128xi32, #tpu.memory_space<hbm>>) dst(%dma_wait3A_50 : memref<128xi32, #tpu.memory_space<vmem>>)
      tpu.yield
    }) : () -> ()
    %add3A_7 = arith.constant 128 : i32
    %add3A_8 = arith.addi %mul3A_2, %add3A_7 : i32
    %run_scoped3A_9 = arith.constant 1 : i32
    "tpu.region"() ({
      %run_scoped3A_35 = tpu.sem_alloc : memref<!tpu.dma_semaphore, #tpu.memory_space<semaphore_mem>>
      %dma_start3A_36 = arith.constant 0 : i32
      %dma_start3A_37 = tpu.memref_slice %arg8[%run_scoped3A_9, %dma_start3A_36] : memref<4x128xi32, #tpu.memory_space<vmem>> -> memref<1x128xi32, #tpu.memory_space<vmem>>
      %dma_start3A_38 = tpu.memref_squeeze %dma_start3A_37 : memref<1x128xi32, #tpu.memory_space<vmem>> -> memref<128xi32, #tpu.memory_space<vmem>>
      %dma_start3A_39 = tpu.memref_slice %arg4[%add3A_8] : memref<16384xi32, #tpu.memory_space<hbm>> -> memref<128xi32, #tpu.memory_space<hbm>>
      %dma_start3A_40 = arith.constant 0 : i32
      %dma_start3A_41 = tpu.memref_slice %arg8[%run_scoped3A_9, %dma_start3A_40] : memref<4x128xi32, #tpu.memory_space<vmem>> -> memref<1x128xi32, #tpu.memory_space<vmem>>
      %dma_start3A_42 = tpu.memref_squeeze %dma_start3A_41 : memref<1x128xi32, #tpu.memory_space<vmem>> -> memref<128xi32, #tpu.memory_space<vmem>>
      %dma_start3A_43 = tpu.memref_slice %arg4[%add3A_8] : memref<16384xi32, #tpu.memory_space<hbm>> -> memref<128xi32, #tpu.memory_space<hbm>>
      tpu.enqueue_dma source(%dma_start3A_43 : memref<128xi32, #tpu.memory_space<hbm>>) target(%dma_start3A_42 : memref<128xi32, #tpu.memory_space<vmem>>) target_semaphore(%run_scoped3A_35 : memref<!tpu.dma_semaphore, #tpu.memory_space<semaphore_mem>>)
      %dma_wait3A_44 = arith.constant 0 : i32
      %dma_wait3A_45 = tpu.memref_slice %arg8[%run_scoped3A_9, %dma_wait3A_44] : memref<4x128xi32, #tpu.memory_space<vmem>> -> memref<1x128xi32, #tpu.memory_space<vmem>>
      %dma_wait3A_46 = tpu.memref_squeeze %dma_wait3A_45 : memref<1x128xi32, #tpu.memory_space<vmem>> -> memref<128xi32, #tpu.memory_space<vmem>>
      %dma_wait3A_47 = tpu.memref_slice %arg4[%add3A_8] : memref<16384xi32, #tpu.memory_space<hbm>> -> memref<128xi32, #tpu.memory_space<hbm>>
      %dma_wait3A_48 = arith.constant 0 : i32
      %dma_wait3A_49 = tpu.memref_slice %arg8[%run_scoped3A_9, %dma_wait3A_48] : memref<4x128xi32, #tpu.memory_space<vmem>> -> memref<1x128xi32, #tpu.memory_space<vmem>>
      %dma_wait3A_50 = tpu.memref_squeeze %dma_wait3A_49 : memref<1x128xi32, #tpu.memory_space<vmem>> -> memref<128xi32, #tpu.memory_space<vmem>>
      %dma_wait3A_51 = tpu.memref_slice %arg4[%add3A_8] : memref<16384xi32, #tpu.memory_space<hbm>> -> memref<128xi32, #tpu.memory_space<hbm>>
      tpu.wait_dma2 semaphore(%run_scoped3A_35 : memref<!tpu.dma_semaphore, #tpu.memory_space<semaphore_mem>>) src(%dma_wait3A_51 : memref<128xi32, #tpu.memory_space<hbm>>) dst(%dma_wait3A_50 : memref<128xi32, #tpu.memory_space<vmem>>)
      tpu.yield
    }) : () -> ()
    %add3A_10 = arith.constant 256 : i32
    %add3A_11 = arith.addi %mul3A_2, %add3A_10 : i32
    %run_scoped3A_12 = arith.constant 2 : i32
    "tpu.region"() ({
      %run_scoped3A_35 = tpu.sem_alloc : memref<!tpu.dma_semaphore, #tpu.memory_space<semaphore_mem>>
      %dma_start3A_36 = arith.constant 0 : i32
      %dma_start3A_37 = tpu.memref_slice %arg8[%run_scoped3A_12, %dma_start3A_36] : memref<4x128xi32, #tpu.memory_space<vmem>> -> memref<1x128xi32, #tpu.memory_space<vmem>>
      %dma_start3A_38 = tpu.memref_squeeze %dma_start3A_37 : memref<1x128xi32, #tpu.memory_space<vmem>> -> memref<128xi32, #tpu.memory_space<vmem>>
      %dma_start3A_39 = tpu.memref_slice %arg4[%add3A_11] : memref<16384xi32, #tpu.memory_space<hbm>> -> memref<128xi32, #tpu.memory_space<hbm>>
      %dma_start3A_40 = arith.constant 0 : i32
      %dma_start3A_41 = tpu.memref_slice %arg8[%run_scoped3A_12, %dma_start3A_40] : memref<4x128xi32, #tpu.memory_space<vmem>> -> memref<1x128xi32, #tpu.memory_space<vmem>>
      %dma_start3A_42 = tpu.memref_squeeze %dma_start3A_41 : memref<1x128xi32, #tpu.memory_space<vmem>> -> memref<128xi32, #tpu.memory_space<vmem>>
      %dma_start3A_43 = tpu.memref_slice %arg4[%add3A_11] : memref<16384xi32, #tpu.memory_space<hbm>> -> memref<128xi32, #tpu.memory_space<hbm>>
      tpu.enqueue_dma source(%dma_start3A_43 : memref<128xi32, #tpu.memory_space<hbm>>) target(%dma_start3A_42 : memref<128xi32, #tpu.memory_space<vmem>>) target_semaphore(%run_scoped3A_35 : memref<!tpu.dma_semaphore, #tpu.memory_space<semaphore_mem>>)
      %dma_wait3A_44 = arith.constant 0 : i32
      %dma_wait3A_45 = tpu.memref_slice %arg8[%run_scoped3A_12, %dma_wait3A_44] : memref<4x128xi32, #tpu.memory_space<vmem>> -> memref<1x128xi32, #tpu.memory_space<vmem>>
      %dma_wait3A_46 = tpu.memref_squeeze %dma_wait3A_45 : memref<1x128xi32, #tpu.memory_space<vmem>> -> memref<128xi32, #tpu.memory_space<vmem>>
      %dma_wait3A_47 = tpu.memref_slice %arg4[%add3A_11] : memref<16384xi32, #tpu.memory_space<hbm>> -> memref<128xi32, #tpu.memory_space<hbm>>
      %dma_wait3A_48 = arith.constant 0 : i32
      %dma_wait3A_49 = tpu.memref_slice %arg8[%run_scoped3A_12, %dma_wait3A_48] : memref<4x128xi32, #tpu.memory_space<vmem>> -> memref<1x128xi32, #tpu.memory_space<vmem>>
      %dma_wait3A_50 = tpu.memref_squeeze %dma_wait3A_49 : memref<1x128xi32, #tpu.memory_space<vmem>> -> memref<128xi32, #tpu.memory_space<vmem>>
      %dma_wait3A_51 = tpu.memref_slice %arg4[%add3A_11] : memref<16384xi32, #tpu.memory_space<hbm>> -> memref<128xi32, #tpu.memory_space<hbm>>
      tpu.wait_dma2 semaphore(%run_scoped3A_35 : memref<!tpu.dma_semaphore, #tpu.memory_space<semaphore_mem>>) src(%dma_wait3A_51 : memref<128xi32, #tpu.memory_space<hbm>>) dst(%dma_wait3A_50 : memref<128xi32, #tpu.memory_space<vmem>>)
      tpu.yield
    }) : () -> ()
    %add3A_13 = arith.constant 384 : i32
    %add3A_14 = arith.addi %mul3A_2, %add3A_13 : i32
    %run_scoped3A_15 = arith.constant 3 : i32
    "tpu.region"() ({
      %run_scoped3A_35 = tpu.sem_alloc : memref<!tpu.dma_semaphore, #tpu.memory_space<semaphore_mem>>
      %dma_start3A_36 = arith.constant 0 : i32
      %dma_start3A_37 = tpu.memref_slice %arg8[%run_scoped3A_15, %dma_start3A_36] : memref<4x128xi32, #tpu.memory_space<vmem>> -> memref<1x128xi32, #tpu.memory_space<vmem>>
      %dma_start3A_38 = tpu.memref_squeeze %dma_start3A_37 : memref<1x128xi32, #tpu.memory_space<vmem>> -> memref<128xi32, #tpu.memory_space<vmem>>
      %dma_start3A_39 = tpu.memref_slice %arg4[%add3A_14] : memref<16384xi32, #tpu.memory_space<hbm>> -> memref<128xi32, #tpu.memory_space<hbm>>
      %dma_start3A_40 = arith.constant 0 : i32
      %dma_start3A_41 = tpu.memref_slice %arg8[%run_scoped3A_15, %dma_start3A_40] : memref<4x128xi32, #tpu.memory_space<vmem>> -> memref<1x128xi32, #tpu.memory_space<vmem>>
      %dma_start3A_42 = tpu.memref_squeeze %dma_start3A_41 : memref<1x128xi32, #tpu.memory_space<vmem>> -> memref<128xi32, #tpu.memory_space<vmem>>
      %dma_start3A_43 = tpu.memref_slice %arg4[%add3A_14] : memref<16384xi32, #tpu.memory_space<hbm>> -> memref<128xi32, #tpu.memory_space<hbm>>
      tpu.enqueue_dma source(%dma_start3A_43 : memref<128xi32, #tpu.memory_space<hbm>>) target(%dma_start3A_42 : memref<128xi32, #tpu.memory_space<vmem>>) target_semaphore(%run_scoped3A_35 : memref<!tpu.dma_semaphore, #tpu.memory_space<semaphore_mem>>)
      %dma_wait3A_44 = arith.constant 0 : i32
      %dma_wait3A_45 = tpu.memref_slice %arg8[%run_scoped3A_15, %dma_wait3A_44] : memref<4x128xi32, #tpu.memory_space<vmem>> -> memref<1x128xi32, #tpu.memory_space<vmem>>
      %dma_wait3A_46 = tpu.memref_squeeze %dma_wait3A_45 : memref<1x128xi32, #tpu.memory_space<vmem>> -> memref<128xi32, #tpu.memory_space<vmem>>
      %dma_wait3A_47 = tpu.memref_slice %arg4[%add3A_14] : memref<16384xi32, #tpu.memory_space<hbm>> -> memref<128xi32, #tpu.memory_space<hbm>>
      %dma_wait3A_48 = arith.constant 0 : i32
      %dma_wait3A_49 = tpu.memref_slice %arg8[%run_scoped3A_15, %dma_wait3A_48] : memref<4x128xi32, #tpu.memory_space<vmem>> -> memref<1x128xi32, #tpu.memory_space<vmem>>
      %dma_wait3A_50 = tpu.memref_squeeze %dma_wait3A_49 : memref<1x128xi32, #tpu.memory_space<vmem>> -> memref<128xi32, #tpu.memory_space<vmem>>
      %dma_wait3A_51 = tpu.memref_slice %arg4[%add3A_14] : memref<16384xi32, #tpu.memory_space<hbm>> -> memref<128xi32, #tpu.memory_space<hbm>>
      tpu.wait_dma2 semaphore(%run_scoped3A_35 : memref<!tpu.dma_semaphore, #tpu.memory_space<semaphore_mem>>) src(%dma_wait3A_51 : memref<128xi32, #tpu.memory_space<hbm>>) dst(%dma_wait3A_50 : memref<128xi32, #tpu.memory_space<vmem>>)
      tpu.yield
    }) : () -> ()
    %dma_start3A = arith.constant 0 : i32
    %dma_start3A_16 = arith.constant 0 : i32
    %dma_start3A_17 = tpu.memref_slice %arg6[%arg1, %dma_start3A, %dma_start3A_16] : memref<16x64x128xi32, #tpu.memory_space<hbm>> -> memref<1x64x128xi32, #tpu.memory_space<hbm>>
    %dma_start3A_18 = tpu.memref_squeeze %dma_start3A_17 : memref<1x64x128xi32, #tpu.memory_space<hbm>> -> memref<64x128xi32, #tpu.memory_space<hbm>>
    %dma_start3A_19 = arith.constant 0 : i32
    %dma_start3A_20 = arith.constant 0 : i32
    %dma_start3A_21 = tpu.memref_slice %arg6[%arg1, %dma_start3A_19, %dma_start3A_20] : memref<16x64x128xi32, #tpu.memory_space<hbm>> -> memref<1x64x128xi32, #tpu.memory_space<hbm>>
    %dma_start3A_22 = tpu.memref_squeeze %dma_start3A_21 : memref<1x64x128xi32, #tpu.memory_space<hbm>> -> memref<64x128xi32, #tpu.memory_space<hbm>>
    tpu.enqueue_dma source(%dma_start3A_22 : memref<64x128xi32, #tpu.memory_space<hbm>>) target(%arg14 : memref<64x128xi32, #tpu.memory_space<vmem>>) target_semaphore(%arg16 : memref<!tpu.dma_semaphore, #tpu.memory_space<semaphore_mem>>)
    %scan3A = arith.constant 0 : i32
    %scan3A_23 = arith.constant 0 : i32
    %scan3A_24 = arith.constant 32 : i32
    %scan3A_25 = arith.addi %scan3A_23, %scan3A_24 : i32
    %scan3A_26 = arith.constant 1 : i32
    scf.for %scan3A_35 = %scan3A_23 to %scan3A_25 step %scan3A_26  : i32 {
      %broadcast_in_dim3A = arith.constant 0.000000e+00 : f32
      %broadcast_in_dim3A_36 = vector.broadcast %broadcast_in_dim3A : f32 to vector<16xf32>
      %mul3A_37 = arith.constant 16 : i32
      %mul3A_38 = arith.muli %scan3A_35, %mul3A_37 : i32
      %swap3A = arith.index_cast %mul3A_38 : i32 to index
      %swap3A_39 = tpu.vector_load %arg12[%swap3A] {strides = array<i32>} : memref<512xf32, #tpu.memory_space<vmem>>, vector<16xf32>,
      %swap3A_40 = vector.shape_cast %swap3A_39 : vector<16xf32> to vector<16xf32>
      %swap3A_41 = vector.shape_cast %broadcast_in_dim3A_36 : vector<16xf32> to vector<16xf32>
      tpu.vector_store %arg12[%swap3A], %swap3A_41 {strides = array<i32>} : memref<512xf32, #tpu.memory_space<vmem>>, vector<16xf32>,
    }
    %scan3A_27 = arith.constant 32 : i32
    %dma_wait3A = arith.constant 0 : i32
    %dma_wait3A_28 = arith.constant 0 : i32
    %dma_wait3A_29 = tpu.memref_slice %arg6[%arg1, %dma_wait3A, %dma_wait3A_28] : memref<16x64x128xi32, #tpu.memory_space<hbm>> -> memref<1x64x128xi32, #tpu.memory_space<hbm>>
    %dma_wait3A_30 = tpu.memref_squeeze %dma_wait3A_29 : memref<1x64x128xi32, #tpu.memory_space<hbm>> -> memref<64x128xi32, #tpu.memory_space<hbm>>
    %dma_wait3A_31 = arith.constant 0 : i32
    %dma_wait3A_32 = arith.constant 0 : i32
    %dma_wait3A_33 = tpu.memref_slice %arg6[%arg1, %dma_wait3A_31, %dma_wait3A_32] : memref<16x64x128xi32, #tpu.memory_space<hbm>> -> memref<1x64x128xi32, #tpu.memory_space<hbm>>
    %dma_wait3A_34 = tpu.memref_squeeze %dma_wait3A_33 : memref<1x64x128xi32, #tpu.memory_space<hbm>> -> memref<64x128xi32, #tpu.memory_space<hbm>>
    tpu.wait_dma2 semaphore(%arg16 : memref<!tpu.dma_semaphore, #tpu.memory_space<semaphore_mem>>) src(%dma_wait3A_34 : memref<64x128xi32, #tpu.memory_space<hbm>>) dst(%arg14 : memref<64x128xi32, #tpu.memory_space<vmem>>)
    "tpu.region"() ({
      %run_scoped3A_35 = tpu.sem_alloc : memref<!tpu.dma_semaphore, #tpu.memory_space<semaphore_mem>>
      %dma_start3A_36 = tpu.memref_slice %arg15[%mul3A_4] : memref<8192xf32, #tpu.memory_space<vmem_shared>> -> memref<512xf32, #tpu.memory_space<vmem_shared>>
      %dma_start3A_37 = tpu.memref_slice %arg15[%mul3A_4] : memref<8192xf32, #tpu.memory_space<vmem_shared>> -> memref<512xf32, #tpu.memory_space<vmem_shared>>
      tpu.enqueue_dma source(%arg12 : memref<512xf32, #tpu.memory_space<vmem>>) target(%dma_start3A_37 : memref<512xf32, #tpu.memory_space<vmem_shared>>) target_semaphore(%run_scoped3A_35 : memref<!tpu.dma_semaphore, #tpu.memory_space<semaphore_mem>>)
      %dma_wait3A_38 = tpu.memref_slice %arg15[%mul3A_4] : memref<8192xf32, #tpu.memory_space<vmem_shared>> -> memref<512xf32, #tpu.memory_space<vmem_shared>>
      %dma_wait3A_39 = tpu.memref_slice %arg15[%mul3A_4] : memref<8192xf32, #tpu.memory_space<vmem_shared>> -> memref<512xf32, #tpu.memory_space<vmem_shared>>
      tpu.wait_dma2 semaphore(%run_scoped3A_35 : memref<!tpu.dma_semaphore, #tpu.memory_space<semaphore_mem>>) src(%arg12 : memref<512xf32, #tpu.memory_space<vmem>>) dst(%dma_wait3A_39 : memref<512xf32, #tpu.memory_space<vmem_shared>>)
      tpu.yield
    }) : () -> ()
    "tpu.region"() ({
      %run_scoped3A_35 = tpu.sem_alloc : memref<!tpu.dma_semaphore, #tpu.memory_space<semaphore_mem>>
      %dma_start3A_36 = tpu.memref_slice %arg7[%mul3A_2] : memref<16384xf32, #tpu.memory_space<hbm>> -> memref<512xf32, #tpu.memory_space<hbm>>
      %dma_start3A_37 = tpu.memref_slice %arg15[%mul3A_4] : memref<8192xf32, #tpu.memory_space<vmem_shared>> -> memref<512xf32, #tpu.memory_space<vmem_shared>>
      tpu.enqueue_dma source(%dma_start3A_37 : memref<512xf32, #tpu.memory_space<vmem_shared>>) target(%dma_start3A_36 : memref<512xf32, #tpu.memory_space<hbm>>) target_semaphore(%run_scoped3A_35 : memref<!tpu.dma_semaphore, #tpu.memory_space<semaphore_mem>>)
      %dma_wait3A_38 = tpu.memref_slice %arg7[%mul3A_2] : memref<16384xf32, #tpu.memory_space<hbm>> -> memref<512xf32, #tpu.memory_space<hbm>>
      %dma_wait3A_39 = tpu.memref_slice %arg15[%mul3A_4] : memref<8192xf32, #tpu.memory_space<vmem_shared>> -> memref<512xf32, #tpu.memory_space<vmem_shared>>
      tpu.wait_dma2 semaphore(%run_scoped3A_35 : memref<!tpu.dma_semaphore, #tpu.memory_space<semaphore_mem>>) src(%dma_wait3A_39 : memref<512xf32, #tpu.memory_space<vmem_shared>>) dst(%dma_wait3A_38 : memref<512xf32, #tpu.memory_space<hbm>>)
      tpu.yield
    }) : () -> ()
    return
  }
}

</mosaic_0001>

<sc_bundles>
// kernel: kernel.3.cloned.1.call-start
scs
__scs_entry_jumppad:
0x0: {  	(pc) =	sbr.rel $0x88, $3  }
0x1: {  	(tag) =	ssettag $0x0;
	lr =	simm.s32 $0x1  }
0x2: {  	[smem:$0x3F9C] =	sst lr;
	_ =	strace $0xD0000000  }
0x3: {  	_ = 	snop  }
0x4: {  	_ = 	snop  }
0x5: {  	_ = 	snop  }
0x6: {  	_ = 	snop  }
0x7: {  	_ = 	snop  }
__scs_overlays_trampoline_lowered:
0x8: {  	[smem:$0x3FAB] =	sst s0  }
0x9: {  	[smem:$0x3FAC] =	sst s1  }
0xa: {  	[smem:$0x3FAD] =	sst s2  }
0xb: {  	[smem:$0x3FAE] =	sst s3  }
0xc: {  	[smem:$0x3FAF] =	sst s4  }
0xd: {  	[smem:$0x3FB0] =	sst s5  }
0xe: {  	[smem:$0x3FB1] =	sst s6  }
0xf: {  	[smem:$0x3FB2] =	sst s7  }
0x10: {  	[smem:$0x3FB3] =	sst s8  }
0x11: {  	[smem:$0x3FB4] =	sst s9;
	s0 =	simm.s32 @!p0 $0x0  }
0x12: {  	s1 =	sld [smem:$0x3F9A];
	s0 =	simm.s32 @p0 $0x1  }
0x13: {  	[smem:$0x3FB5] =	sst s0;
	s0 =	simm.s32 @!p1 $0x0  }
0x14: {  	s2 =	sld [smem:$0x3F99];
	s0 =	simm.s32 @p1 $0x1  }
0x15: {  	[smem:$0x3FB6] =	sst s0;
	s0 =	simm.s32 @!p2 $0x0  }
0x16: {  	s3 =	sld [smem:$0x3FDB];
	s0 =	simm.s32 @p2 $0x1  }
0x17: {  	s4 =	simm.s32 $0x1BF5;
	[smem:$0x3FB8] =	sst s0  }
0x18: {  	s0 =	sld [smem:$0x3F9B];
	_ =	swait.ge [sflag:s4], $0x0  }
0x19: {  	s7 =	sld [smem:$0x3F9C]  }
0x1a: {  	s8 =	sadd.s32 $0xFFFFE003, lr  }
0x1b: {  	s9 =	sadd.s32 $0xFFFFFEF7, lr;
	s5 =	simm.s32 $0xFFFFFFFF;
	p2 =	slt.u32 s8, $0xFFFFF086  }
0x1c: {  	p1 =	slt.u32 s9, $0xF7A;
	s5 =	simm.s32 @!p2 $0x0  }
0x1d: {  	s5 =	simm.s32 @p1 $0x1;
	p0 =	seq.s32 s7, s2  }
0x1e: {  	s7 =	smul.u32 @!p0 $0xF7A, s2;
	p2 =	seq.s32 @!p0 s5, $0x0  }
0x1f: {  	s9 =	smul.u32 $0xF7A, s1;
	s8 =	simm.s32 @!p0 $0x1BF5;
	p2 =	por !p2, p0  }
0x20: {  	[sflag:s8] =	ssyncset.s32 @!p0 $0xFFFFF086;
	s6 =	sadd.s32 @!p0 s3, s7;
	s7 =	simm.s32 @!p0 $0x108  }
0x21: {  	s3 =	sadd.s32 s3, s9;
	s6 =	sadd.s32 @!p0 $0x88, s6;
	s7 =	simm.s32 @p2 $0x1082  }
0x22: {  	[simem:s7], [sflag:s8] =	dma.local @!p0 [hbm:s6], $0xF7A  }
0x23: {  	s9 =	sor.u32 $0xD0000000, s2;
	s6 =	simm.s32 $0x108;
	_ =	swait.ge @!p0 [sflag:s8], $0x0  }
0x24: {  	s3 =	sadd.s32 $0x88, s3;
	s6 =	simm.s32 @!p1 $0x1082;
	[sflag:s4] =	ssyncset.s32 $0xFFFFF086  }
0x25: {  	[simem:s6], [sflag:s4] =	dma.local [hbm:s3], $0xF7A  }
0x26: {  	[smem:$0x3F9C] =	sst s1;
	(tag) =	ssettag s2;
	_ =	strace s9  }
0x27: {  	s1 =	sld [smem:$0x3FAC]  }
0x28: {  	s2 =	sld [smem:$0x3FAD]  }
0x29: {  	s4 =	sld [smem:$0x3FAF]  }
0x2a: {  	p0 =	seq.s32 s5, $0x0;
	s5 =	sld [smem:$0x3FB0]  }
0x2b: {  	s6 =	sld [smem:$0x3FB1]  }
0x2c: {  	s7 =	sld [smem:$0x3FB2]  }
0x2d: {  	s3 =	simm.s32 $0x108;
	s8 =	sld [smem:$0x3FB3]  }
0x2e: {  	s3 =	simm.s32 @!p0 $0x1082;
	s9 =	sld [smem:$0x3FB4]  }
0x2f: {  	lr =	sadd.s32 s0, s3;
	s0 =	sld [smem:$0x3FAB]  }
0x30: {  	s3 =	sld [smem:$0x3FAE]  }
0x31: {  	[smem:$0x3FB7] =	sst s10  }
0x32: {  	s10 =	sld [smem:$0x3FB5];
	_ =	sdelay $0x3  }
0x33: {  	p0 =	seq.s32 s10, $0x1;
	s10 =	sld [smem:$0x3FB7];
	_ =	sdelay $0x3  }
0x34: {  	[smem:$0x3FB7] =	sst s10  }
0x35: {  	s10 =	sld [smem:$0x3FB6];
	_ =	sdelay $0x3  }
0x36: {  	p1 =	seq.s32 s10, $0x1;
	s10 =	sld [smem:$0x3FB7];
	_ =	sdelay $0x3  }
0x37: {  	[smem:$0x3FB7] =	sst s10  }
0x38: {  	s10 =	sld [smem:$0x3FB8]  }
0x39: {  	_ = 	snop;
	(pc) =	sbr.ind lr, $3  }
0x3a: {  	_ = 	snop  }
0x3b: {  	_ = 	snop  }
0x3c: {  	p2 =	seq.s32 s10, $0x1;
	s10 =	sld [smem:$0x3FB7]  }
0x3d: {  	_ =	shalt  }
0x3e: {  	_ =	shalt  }
0x3f: {  	_ =	shalt  }
0x40: {  	_ =	shalt  }
0x41: {  	_ =	shalt  }
0x42: {  	_ =	shalt  }
0x43: {  	_ =	shalt  }
0x44: {  	_ =	shalt  }
0x45: {  	_ =	shalt  }
0x46: {  	_ =	shalt  }
0x47: {  	_ =	shalt  }
0x48: {  	_ =	shalt  }
0x49: {  	_ =	shalt  }
0x4a: {  	_ =	shalt  }
0x4b: {  	_ =	shalt  }
0x4c: {  	_ =	shalt  }
0x4d: {  	_ =	shalt  }
0x4e: {  	_ =	shalt  }
0x4f: {  	_ =	shalt  }
0x50: {  	_ =	shalt  }
0x51: {  	_ =	shalt  }
0x52: {  	_ =	shalt  }
0x53: {  	_ =	shalt  }
0x54: {  	_ =	shalt  }
0x55: {  	_ =	shalt  }
0x56: {  	_ =	shalt  }
0x57: {  	_ =	shalt  }
0x58: {  	_ =	shalt  }
0x59: {  	_ =	shalt  }
0x5a: {  	_ =	shalt  }
0x5b: {  	_ =	shalt  }
0x5c: {  	_ =	shalt  }
0x5d: {  	_ =	shalt  }
0x5e: {  	_ =	shalt  }
0x5f: {  	_ =	shalt  }
0x60: {  	_ =	shalt  }
0x61: {  	_ =	shalt  }
0x62: {  	_ =	shalt  }
0x63: {  	_ =	shalt  }
0x64: {  	_ =	shalt  }
0x65: {  	_ =	shalt  }
0x66: {  	_ =	shalt  }
0x67: {  	_ =	shalt  }
0x68: {  	_ =	shalt  }
0x69: {  	_ =	shalt  }
0x6a: {  	_ =	shalt  }
0x6b: {  	_ =	shalt  }
0x6c: {  	_ =	shalt  }
0x6d: {  	_ =	shalt  }
0x6e: {  	_ =	shalt  }
0x6f: {  	_ =	shalt  }
0x70: {  	_ =	shalt  }
0x71: {  	_ =	shalt  }
0x72: {  	_ =	shalt  }
0x73: {  	_ =	shalt  }
0x74: {  	_ =	shalt  }
0x75: {  	_ =	shalt  }
0x76: {  	_ =	shalt  }
0x77: {  	_ =	shalt  }
0x78: {  	_ =	shalt  }
0x79: {  	_ =	shalt  }
0x7a: {  	_ =	shalt  }
0x7b: {  	_ =	shalt  }
0x7c: {  	_ =	shalt  }
0x7d: {  	_ =	shalt  }
0x7e: {  	_ =	shalt  }
0x7f: {  	_ =	shalt  }
0x80: {  	_ =	shalt  }
0x81: {  	_ =	shalt  }
0x82: {  	_ =	shalt  }
0x83: {  	_ =	shalt  }
0x84: {  	_ =	shalt  }
0x85: {  	_ =	shalt  }
0x86: {  	_ =	shalt  }
0x87: {  	_ =	shalt  }
.Lfunc_end0:
.L_simem_size_0:
called_computation_lowered:
.L_overlay_start_0:
0x88: {  	s2 =	sld [smem:$0x3FD9]  }
0x89: {  	s3 =	sld [smem:$0x3FFE];
	_ =	sdelay $0x1  }
0x8a: {  	s1 =	srdreg.scid  }
0x8b: {  	s0 =	sand.u32 $0x1, s1  }
0x8c: {  	s17 =	sshll.u32 s0, $0xA;
	s2 =	sadd.s32 s3, s2  }
0x8d: {  	s2 =	sadd.s32 s2, s17  }
0x8e: {  	[smem:$0x3FC3] =	sst s2  }
0x8f: {  	_ = 	snop  }
0x90: {  	s2 =	sld [smem:$0x3FC7]  }
0x91: {  	s18 =	sld [smem:$0x3FD0];
	(tm) =	ssettm $0x1  }
0x92: {  	s4 =	sld [smem:$0x3FFB];
	_ =	sdelay $0x3  }
0x93: {  	_ =	strace s4  }
0x94: {  	s4 =	sld [smem:$0x3FFC];
	_ =	sdelay $0x3  }
0x95: {  	_ =	strace s4  }
0x96: {  	s4 =	sld [smem:$0x3FFD];
	_ =	sdelay $0x3  }
0x97: {  	_ =	strace s4  }
0x98: {  	_ =	strace $0x8FFFFFFF  }
0x99: {  	s19 =	sld [smem:$0x3FDB];
	_ =	sdelay $0x1  }
0x9a: {  	s5 =	simm.s32 $_scs_section_size  }
0x9b: {  	s6 =	simm.s32 $_size__tile_overlayer_lowered;
	s7 =	simm.s32 $_tile_overlayer_lowered  }
0x9c: {  	s22 =	simm.s32 $0x1BFF;
	s21 =	sshll.u32 s7, $0x1;
	s4 =	sadd.s32 s5, s19  }
0x9d: {  	s8 =	simm.s32 $0x0;
	s20 =	sshll.u32 s6, $0x1;
	s6 =	sadd.s32 s21, s4  }
0x9e: {  	[timem:s8], [sflag:s22] =	dma.local [hbm:s6], s20  }
0x9f: {  	_ =	swait.ge [sflag:s22], s20  }
0xa0: {  	s5 =	ssub.s32 $0x0, s20;
	[sflag:s22] =	ssyncset.done $0x0  }
0xa1: {  	[sflag:s22] =	ssyncadd.s32 s5;
	_ =	sdelay $0x1  }
0xa2: {  	s23 =	simm.s32 $0x1B8B  }
0xa3: {  	_ =	swait.ge [sflag:s23], $0x1  }
0xa4: {  	[sflag:s23] =	ssyncset.done $0x0  }
0xa5: {  	s25 =	simm.s32 $0x1B8E;
	s24 =	sld [smem:$0x3FFE];
	[sflag:s23] =	ssyncadd.s32 $0xFFFFFFFF  }
0xa6: {  	s26 =	simm.s32 $execute0_lowered;
	[smem:$0x3FD2] =	sst s25  }
0xa7: {  	s6 =	sshll.u32 s26, $0x1;
	_ =	strace $0x80000046;
	[dreg:$0x1] =	wrdreg $0xFFFFFFFF  }
0xa8: {  	s28 =	simm.s32 $_size_execute0_lowered;
	s4 =	sadd.s32 s4, s6;
	[dreg:$0x0] =	wrdreg $0x0  }
0xa9: {  	s6 =	sshll.u32 s28, $0x1;
	[dreg:$0x2] =	wrdreg s4  }
0xaa: {  	[dreg:$0x3] =	wrdreg s6  }
0xab: {  	[dreg:$0x4] =	wrdreg $0xC0  }
0xac: {  	_ =	task [dreg:s8], $0x5FFFF  }
0xad: {  	[dreg:$0x1] =	wrdreg $0xFFFFFFFF  }
0xae: {  	[dreg:$0x0] =	wrdreg $0x60  }
0xaf: {  	[dreg:$0x2] =	wrdreg s2  }
0xb0: {  	[dreg:$0x3] =	wrdreg s24  }
0xb1: {  	[dreg:$0x4] =	wrdreg s18  }
0xb2: {  	[dreg:$0x5] =	wrdreg $0x24000  }
0xb3: {  	[dreg:$0x6] =	wrdreg $0x9  }
0xb4: {  	_ =	task.clear_ibuf [dreg:s8], $0x7FFFF;
	_ =	strace $0x90000046  }
0xb5: {  	s29 =	simm.s32 $0x9;
	_ =	strace $0x80000048  }
0xb6: {  	_ =	swait.ge [sflag:s29], $0x1  }
0xb7: {  	[sflag:s29] =	ssyncadd.s32 $0xFFFFFFFF  }
0xb8: {  	_ =	strace $0x90000048  }
0xb9: {  	_ =	sfence  }
0xba: {  	s30 =	sld [smem:$0x0];
	_ =	sdelay $0x2  }
0xbb: {  	s31 =	sshll.u32 s1, $0xD;
	s1 =	sshrl.u32 s1, $0x2  }
0xbc: {  	s3 =	sand.u32 $0x4000, s31;
	s1 =	sadd.s32 s1, s30  }
0xbd: {  	s0 =	sor.u32 s3, s0;
	s1 =	sshll.u32 s1, $0x11  }
0xbe: {  	s0 =	sor.u32 s1, s0  }
0xbf: {  	s0 =	sadd.s32 $0x8F2B, s0  }
0xc0: {  	[sflag:s0] =	ssyncadd.remote.s32 $0x1  }
0xc1: {  	_ =	sfence.sel $0xFFFF  }
0xc2: {  	[dreg:$0x0] =	wrdreg $0xFFFFFFFF;
	(pc) =	sbr.abs _section_cstart, $3  }
0xc3: {  	[dreg:$0x1] =	wrdreg $0xFFFFFFFF  }
0xc4: {  	_ =	task.clear_ibuf [dreg:s8], $0x2FFFF;
	_ =	strace $0x9FFFFFFF  }
0xc5: {  	(tm) =	ssettm $0x7FFFFFFF  }
tec
execute0_lowered:
.L_overlay_start_1:
0x0: {  	(tag) =	ssettag $0x1  }
0x1: {  	s2 =	rddreg [dreg:$0x0]  }
0x2: {  	s9 =	rddreg [dreg:$0x1];
	s1 =	srdreg.scid  }
0x3: {  	s13 =	rddreg [dreg:$0x2];
	s0 =	stileid.u32;
	s10 =	sand.u32 $0x1, s1  }
0x4: {  	s14 =	rddreg [dreg:$0x3];
	s15 =	sshll.u32 s0, $0xA;
	s4 =	sshll.u32 s10, $0x9  }
0x5: {  	s3 =	simm.s32 $0x0;
	s1 =	rddreg [dreg:$0x4];
	s4 =	sor.u32 s4, s15  }
0x6: {  	[smem:$0x7FF] =	sst s3;
	s16 =	sshrl.u32 s4, $0x3  }
0x7: {  	_ =	strace $0x80000047;
	s4 =	sadd.s32 s2, s16;
	s2 =	simm.s32 $0x2  }
0x8: {  	[tilespmem:s3], [sflag:$0x2] =	stream.linear.gather [hbm4b:s4+s3], $0x80, $0x38;
	[tilespmem:$0x2600] =	vst v63  }
0x9: {  	_ =	swait.ge [sflag:s2], $0x80  }
0xa: {  	[sflag:s2] =	ssyncset.done $0x0  }
0xb: {  	s6 =	simm.s32 $0x80;
	s5 =	sadd.s32 $0x10, s4;
	[sflag:s2] =	ssyncadd.s32 $0xFFFFFF80  }
0xc: {  	[tilespmem:s6], [sflag:$0x2] =	stream.linear.gather [hbm4b:s5+s3], $0x80, $0x38;
	[tilespmem:$0x2600] =	vst v63  }
0xd: {  	_ =	swait.ge [sflag:s2], $0x80  }
0xe: {  	[sflag:s2] =	ssyncset.done $0x0  }
0xf: {  	s8 =	simm.s32 $0x100;
	s7 =	sadd.s32 $0x20, s4;
	[sflag:s2] =	ssyncadd.s32 $0xFFFFFF80  }
0x10: {  	[tilespmem:s8], [sflag:$0x2] =	stream.linear.gather [hbm4b:s7+s3], $0x80, $0x38;
	[tilespmem:$0x2600] =	vst v63  }
0x11: {  	_ =	swait.ge [sflag:s2], $0x80  }
0x12: {  	[sflag:s2] =	ssyncset.done $0x0  }
0x13: {  	s12 =	simm.s32 $0x180;
	s11 =	sadd.s32 $0x30, s4;
	[sflag:s2] =	ssyncadd.s32 $0xFFFFFF80  }
0x14: {  	[tilespmem:s12], [sflag:$0x2] =	stream.linear.gather [hbm4b:s11+s3], $0x80, $0x38;
	[tilespmem:$0x2600] =	vst v63  }
0x15: {  	_ =	swait.ge [sflag:s2], $0x80  }
0x16: {  	s9 =	sadd.s32 s15, s9;
	[sflag:s2] =	ssyncset.done $0x0  }
0x17: {  	s18 =	simm.s32 $0x400;
	s17 =	sadd.s32 $0x80600, s9;
	[sflag:s2] =	ssyncadd.s32 $0xFFFFFF80  }
0x18: {  	v0 =	vimm.f32 $0.0e+00;
	[tilespmem:s18], [sflag:$0x1] =	stream.linear.gather [hbm4b:s17+s3], $0x2000, $0x38;
	[tilespmem:$0x2600] =	vst v63  }
0x19: {  	[tilespmem:$0x3F0] =	vst v0  }
0x1a: {  	s29 =	ssub.s32 $0x2, s10;
	[tilespmem:$0x3E0] =	vst v0  }
0x1b: {  	s10 =	sshrl.u32 s29, $0x1;
	[tilespmem:$0x3D0] =	vst v0  }
0x1c: {  	s19 =	ssub.s32 s29, s10;
	[tilespmem:$0x3C0] =	vst v0  }
0x1d: {  	s19 =	smax.u32 s19, $0x1;
	[tilespmem:$0x3B0] =	vst v0  }
0x1e: {  	p0 =	sne.s32 s19, $0x1;
	[tilespmem:$0x3A0] =	vst v0  }
.Ltmp0:
0x1f: {  	[tilespmem:$0x390] =	vst v0;
	(pc) =	sbr.rel @!p0 .LBB2_2-.Ltmp0, $4  }
0x20: {  	s31 =	sshll.u32 s0, $0x6;
	[tilespmem:$0x380] =	vst v0  }
0x21: {  	s30 =	sshll.u32 s0, $0x9;
	s15 =	sor.u32 $0x1C02, s31;
	[tilespmem:$0x370] =	vst v0  }
0x22: {  	s10 =	sadd.s32 s30, s14;
	s14 =	simm.s32 $0x200;
	s9 =	sadd.s32 s13, s16;
	[tilespmem:$0x360] =	vst v0  }
0x23: {  	s13 =	simm.s32 $0x1;
	s16 =	sshrl.u32 s10, $0x3;
	s19 =	sadd.s32 $0xFFFFFFFF, s19;
	[tilespmem:$0x350] =	vst v0  }
.LBB2_1:
0x24: {  	p0 =	sne.s32 s19, $0x1;
	s19 =	sadd.s32 $0xFFFFFFFF, s19;
	[tilespmem:$0x340] =	vst v0  }
0x25: {  	[tilespmem:$0x330] =	vst v0  }
0x26: {  	[tilespmem:$0x320] =	vst v0  }
0x27: {  	[tilespmem:$0x310] =	vst v0  }
0x28: {  	[tilespmem:$0x300] =	vst v0  }
0x29: {  	[tilespmem:$0x2F0] =	vst v0  }
0x2a: {  	[tilespmem:$0x2E0] =	vst v0  }
0x2b: {  	[tilespmem:$0x2D0] =	vst v0  }
0x2c: {  	[tilespmem:$0x2C0] =	vst v0  }
0x2d: {  	[tilespmem:$0x2B0] =	vst v0  }
0x2e: {  	[tilespmem:$0x2A0] =	vst v0  }
0x2f: {  	[tilespmem:$0x290] =	vst v0  }
0x30: {  	[tilespmem:$0x280] =	vst v0  }
0x31: {  	[tilespmem:$0x270] =	vst v0  }
0x32: {  	[tilespmem:$0x260] =	vst v0  }
0x33: {  	[tilespmem:$0x250] =	vst v0  }
0x34: {  	[tilespmem:$0x240] =	vst v0  }
0x35: {  	[tilespmem:$0x230] =	vst v0  }
0x36: {  	[tilespmem:$0x220] =	vst v0  }
0x37: {  	[tilespmem:$0x200] =	vst v0  }
0x38: {  	[tilespmem:$0x210] =	vst v0  }
0x39: {  	_ =	swait.ge [sflag:s13], $0x2000  }
0x3a: {  	[sflag:s13] =	ssyncset.done $0x0  }
0x3b: {  	[sflag:s13] =	ssyncadd.s32 $0xFFFFE000  }
0x3c: {  	[spmem:s10] =	stream.linear.scatter [tilespmem:s14], [sflag:$0x2], $0x200, $0x38;
	[tilespmem:$0x2600] =	vst v63  }
0x3d: {  	_ =	swait.ge [sflag:s2], $0x200  }
0x3e: {  	[sflag:s2] =	ssyncset.done $0x0  }
0x3f: {  	[sflag:s2] =	ssyncadd.s32 $0xFFFFFE00  }
0x40: {  	[hbm:s9], [sflag:s15] =	dma.local [spmem:s16], $0x40  }
0x41: {  	_ =	swait.ge [sflag:s2], $0x40  }
0x42: {  	[sflag:s2] =	ssyncset.done $0x0  }
0x43: {  	[sflag:s2] =	ssyncadd.s32 $0xFFFFFFC0  }
0x44: {  	[tilespmem:s3], [sflag:$0x2] =	stream.linear.gather [hbm4b:s4+s3], $0x80, $0x38;
	[tilespmem:$0x2600] =	vst v63  }
0x45: {  	_ =	swait.ge [sflag:s2], $0x80  }
0x46: {  	[sflag:s2] =	ssyncset.done $0x0  }
0x47: {  	[sflag:s2] =	ssyncadd.s32 $0xFFFFFF80  }
0x48: {  	[tilespmem:s6], [sflag:$0x2] =	stream.linear.gather [hbm4b:s5+s3], $0x80, $0x38;
	[tilespmem:$0x2600] =	vst v63  }
0x49: {  	_ =	swait.ge [sflag:s2], $0x80  }
0x4a: {  	[sflag:s2] =	ssyncset.done $0x0  }
0x4b: {  	[sflag:s2] =	ssyncadd.s32 $0xFFFFFF80  }
0x4c: {  	[tilespmem:s8], [sflag:$0x2] =	stream.linear.gather [hbm4b:s7+s3], $0x80, $0x38;
	[tilespmem:$0x2600] =	vst v63  }
0x4d: {  	_ =	swait.ge [sflag:s2], $0x80  }
0x4e: {  	[sflag:s2] =	ssyncset.done $0x0  }
0x4f: {  	[sflag:s2] =	ssyncadd.s32 $0xFFFFFF80  }
0x50: {  	[tilespmem:s12], [sflag:$0x2] =	stream.linear.gather [hbm4b:s11+s3], $0x80, $0x38;
	[tilespmem:$0x2600] =	vst v63  }
0x51: {  	_ =	swait.ge [sflag:s2], $0x80  }
0x52: {  	[sflag:s2] =	ssyncset.done $0x0  }
0x53: {  	[sflag:s2] =	ssyncadd.s32 $0xFFFFFF80  }
0x54: {  	[tilespmem:s18], [sflag:$0x1] =	stream.linear.gather [hbm4b:s17+s3], $0x2000, $0x38;
	[tilespmem:$0x2600] =	vst v63  }
0x55: {  	[tilespmem:$0x3F0] =	vst v0  }
0x56: {  	[tilespmem:$0x3E0] =	vst v0  }
0x57: {  	[tilespmem:$0x3D0] =	vst v0  }
0x58: {  	[tilespmem:$0x3C0] =	vst v0  }
0x59: {  	[tilespmem:$0x3B0] =	vst v0  }
0x5a: {  	[tilespmem:$0x3A0] =	vst v0  }
.Ltmp1:
0x5b: {  	[tilespmem:$0x390] =	vst v0;
	(pc) =	sbr.rel @p0 .LBB2_1-.Ltmp1, $4  }
0x5c: {  	[tilespmem:$0x380] =	vst v0  }
0x5d: {  	[tilespmem:$0x370] =	vst v0  }
0x5e: {  	[tilespmem:$0x360] =	vst v0  }
0x5f: {  	[tilespmem:$0x350] =	vst v0  }
.LBB2_2:
0x60: {  	[tilespmem:$0x340] =	vst v0  }
0x61: {  	[tilespmem:$0x330] =	vst v0  }
0x62: {  	[tilespmem:$0x320] =	vst v0  }
0x63: {  	[tilespmem:$0x310] =	vst v0  }
0x64: {  	[tilespmem:$0x300] =	vst v0  }
0x65: {  	[tilespmem:$0x2F0] =	vst v0  }
0x66: {  	[tilespmem:$0x2E0] =	vst v0  }
0x67: {  	[tilespmem:$0x2D0] =	vst v0  }
0x68: {  	[tilespmem:$0x2C0] =	vst v0  }
0x69: {  	[tilespmem:$0x2B0] =	vst v0  }
0x6a: {  	[tilespmem:$0x2A0] =	vst v0  }
0x6b: {  	[tilespmem:$0x290] =	vst v0  }
0x6c: {  	[tilespmem:$0x280] =	vst v0  }
0x6d: {  	[tilespmem:$0x270] =	vst v0  }
0x6e: {  	[tilespmem:$0x260] =	vst v0  }
0x6f: {  	[tilespmem:$0x250] =	vst v0  }
0x70: {  	[tilespmem:$0x240] =	vst v0  }
0x71: {  	[tilespmem:$0x230] =	vst v0  }
0x72: {  	[tilespmem:$0x220] =	vst v0  }
0x73: {  	[tilespmem:$0x200] =	vst v0  }
0x74: {  	[tilespmem:$0x210] =	vst v0  }
0x75: {  	_ =	swait.ge [sflag:s13], $0x2000  }
0x76: {  	[sflag:s13] =	ssyncset.done $0x0  }
0x77: {  	[sflag:s13] =	ssyncadd.s32 $0xFFFFE000  }
0x78: {  	[spmem:s10] =	stream.linear.scatter [tilespmem:s14], [sflag:$0x2], $0x200, $0x38;
	[tilespmem:$0x2600] =	vst v63  }
0x79: {  	_ =	swait.ge [sflag:s2], $0x200  }
0x7a: {  	[sflag:s2] =	ssyncset.done $0x0  }
0x7b: {  	[sflag:s2] =	ssyncadd.s32 $0xFFFFFE00  }
0x7c: {  	[hbm:s9], [sflag:s15] =	dma.local [spmem:s16], $0x40  }
0x7d: {  	_ =	swait.ge [sflag:s2], $0x40  }
0x7e: {  	[sflag:s2] =	ssyncset.done $0x0  }
0x7f: {  	[sflag:s2] =	ssyncadd.s32 $0xFFFFFFC0  }
0x80: {  	_ =	sfence.sel $0x180000  }
0x81: {  	[bflag:$0x0] =	sbarrier.arrive $0xFFFF  }
0x82: {  	p0 =	sne.s32 s0, $0x0;
	_ =	strace $0x90000047  }
0x83: {  	s0 =	sadd.s32 @!p0 $0x100000, s1;
	[bflag:$0x2] =	sbarrier.arrive $0xFFFF  }
0x84: {  	[sflag:s0] =	ssyncadd.tile.s32 @!p0 $0x1;
	_ =	shalt  }
.Lfunc_end2:
_tile_overlayer_lowered:
.L_overlay_start_2:
0x85: {  	(tag) =	ssettag $0x2  }
0x86: {  	s0 =	rddreg [dreg:$0x0];
	s2 =	stileid.u32  }
0x87: {  	s1 =	rddreg [dreg:$0x1];
	p0 =	sne.s32 s2, $0x0  }
0x88: {  	s3 =	rddreg [dreg:$0x2];
	[bflag:$0x3] =	sbarrier.arrive $0xFFFF;
	s2 =	simm.s32 @!p0 $0x1C02  }
0x89: {  	[timem:s3], [sflag:s2] =	dma.local @!p0 [hbm:s0], s1  }
0x8a: {  	s0 =	simm.s32 @!p0 $0x2  }
0x8b: {  	_ =	swait.ge @!p0 [sflag:s0], s1  }
0x8c: {  	s1 =	ssub.s32 @!p0 $0x0, s1;
	[sflag:s0] =	ssyncset.done @!p0 $0x0  }
0x8d: {  	[sflag:s0] =	ssyncadd.s32 @!p0 s1  }
0x8e: {  	[bflag:$0x3] =	sbarrier.arrive $0xFFFF  }
0x8f: {  	_ =	shalt  }

</sc_bundles>
